<compile_context>
chip_gen: v7x
topology: tpu7x:2x2x1
jax: 0.10.2.dev20260603
libtpu: 0.0.44.dev20260713+nightly
codegen_flags: <defaults>
</compile_context>

<pallas_src>
import functools

import jax
import jax.numpy as jnp
from jax import lax
from jax.experimental import pallas as pl
from jax.experimental.pallas import tpu as pltpu
from jax.experimental.pallas import tpu_sc as plsc

B = 1024
L = 20
D = 16
V = 100000

_NC = 2
_NS = 16
_NW = _NC * _NS
_BPW = B // _NW
_RPW = _BPW * L

_mesh = plsc.VectorSubcoreMesh(core_axis_name="c", subcore_axis_name="s")


@functools.partial(
    pl.kernel,
    mesh=_mesh,
    out_type=jax.ShapeDtypeStruct((B, D), jnp.float32),
    scratch_types=[
        pltpu.VMEM((_RPW,), jnp.int32),
        pltpu.VMEM((_RPW, D), jnp.float32),
        pltpu.VMEM((_BPW, D), jnp.float32),
        pltpu.SemaphoreType.DMA,
    ],
    compiler_params=pltpu.CompilerParams(use_tc_tiling_on_sc=False),
)
def _gather_mean(ctx_hbm, emb_hbm, out_hbm, idx_v, rows_v, mean_v, sem):
    wid = lax.axis_index("s") * _NC + lax.axis_index("c")
    base = wid * _BPW
    pltpu.sync_copy(ctx_hbm.at[pl.ds(base * L, _RPW)], idx_v)
    pltpu.async_copy(emb_hbm.at[idx_v], rows_v, sem).wait()

    def body(b, carry):
        acc = rows_v[b * L]
        for l in range(1, L):
            acc = acc + rows_v[b * L + l]
        mean_v[b] = acc * (1.0 / L)
        return carry

    lax.fori_loop(0, _BPW, body, 0)
    pltpu.sync_copy(mean_v, out_hbm.at[pl.ds(base, _BPW)])


_BB = 16
_GRID = B // _BB
_NBUF = 6


def _proj_body(mean_ref, w_ref, out_hbm, buf, sem):
    i = pl.program_id(0)
    slot = lax.rem(i, _NBUF)

    @pl.when(i >= _NBUF)
    def _wait_reuse():
        pltpu.make_async_copy(
            buf.at[slot], out_hbm.at[pl.ds(0, _BB), :], sem.at[slot]).wait()

    buf[slot] = lax.dot_general(
        mean_ref[...], w_ref[...],
        dimension_numbers=(((1,), (0,)), ((), ())),
        preferred_element_type=jnp.float32,
    )

    pltpu.async_copy(buf.at[slot], out_hbm.at[pl.ds(i * _BB, _BB), :],
                     sem.at[slot])

    @pl.when(i == _GRID - 1)
    def _drain():
        for q in range(_NBUF):
            pltpu.make_async_copy(
                buf.at[q], out_hbm.at[pl.ds(0, _BB), :], sem.at[q]).wait()


def _project(mean, lin_w_t):
    return pl.pallas_call(
        _proj_body,
        grid=(_GRID,),
        in_specs=[
            pl.BlockSpec((_BB, D), lambda i: (i, 0)),
            pl.BlockSpec((D, V), lambda i: (0, 0)),
        ],
        out_specs=pl.BlockSpec(memory_space=pl.ANY),
        out_shape=jax.ShapeDtypeStruct((B, V), jnp.float32),
        scratch_shapes=[
            pltpu.VMEM((_NBUF, _BB, V), jnp.float32),
            pltpu.SemaphoreType.DMA((_NBUF,)),
        ],
        compiler_params=pltpu.CompilerParams(
            vmem_limit_bytes=100 * 1024 * 1024),
    )(mean, lin_w_t)


def kernel(context, emb_weight, lin_weight):
    ctx_flat = context.reshape(-1).astype(jnp.int32)
    mean = _gather_mean(ctx_flat, emb_weight)
    return _project(mean, lin_weight.T)

# --- scband reference (transcript-rebuilt; emitter-appended) ---
"""Pipeline reference for scband-word2-vec-77223511982608 (READ-ONLY COPY).

The authoritative reference and input builder live on the scoring server;
editing this copy changes nothing except your own understanding.
"""

import jax, jax.numpy as jnp
import numpy as np

VOCAB = 100000
D_MODEL = 16
BATCH = 1024
CTX_LEN = 20

def _xavier(key, shape):
    fan_in, fan_out = shape[1], shape[0]
    limit = float(np.sqrt(6.0 / (fan_in + fan_out)))
    return jax.random.uniform(key, shape, dtype=jnp.float32, minval=-limit, maxval=limit)

def setup_inputs(seed: int = 0) -> dict:
    key = jax.random.key(seed)
    k1, k2, k3 = jax.random.split(key, 3)
    context = jax.random.randint(k1, (BATCH, CTX_LEN), 0, VOCAB, dtype=jnp.int64) if jax.config.jax_enable_x64 else jax.random.randint(k1, (BATCH, CTX_LEN), 0, VOCAB, dtype=jnp.int32)
    emb_weight = _xavier(k2, (VOCAB, D_MODEL))      # nn.Embedding(vocab_size, d_model).weight
    lin_weight = _xavier(k3, (VOCAB, D_MODEL))      # nn.Linear(d_model, vocab_size, bias=False).weight
    return {"context": context, "emb_weight": emb_weight, "lin_weight": lin_weight}

def reference(context, emb_weight, lin_weight):
    # CBOW forward (batched version of _train_cbow's forward pass):
    #   context_embeddings = self.embeddings(context)          # [B, L, d]
    #   context_mean = context_embeddings.mean(dim=1)          # [B, d]
    #   output = self.weight(context_mean)                     # [B, vocab]
    context_embeddings = jnp.take(emb_weight, context, axis=0)   # gather: [B, L, d]
    context_mean = jnp.mean(context_embeddings, axis=1)          # [B, d]
    output = context_mean @ lin_weight.T                         # [B, vocab]
    return output

if __name__ == "__main__":
    import jax
    _d = setup_inputs()
    print(jax.jit(kernel)(*tuple(_d.values())))

</pallas_src>

<mosaic_0001>
#map = affine_map<(d0, d1) -> (0)>
#map1 = affine_map<(d0, d1) -> (0, 0)>
module attributes {stable_mosaic.version = 14 : i64} {
  func.func @_gather_mean(%arg0: i32, %arg1: i32, %arg2: memref<20480xi32, #tpu.memory_space<hbm>>, %arg3: memref<100000x16xf32, #tpu.memory_space<hbm>>, %arg4: memref<1024x16xf32, #tpu.memory_space<hbm>>, %arg5: memref<640xi32, #tpu.memory_space<vmem>>, %arg6: memref<640x16xf32, #tpu.memory_space<vmem>>, %arg7: memref<32x16xf32, #tpu.memory_space<vmem>>, %arg8: memref<!tpu.dma_semaphore, #tpu.memory_space<semaphore_mem>>) attributes {dimension_semantics = [#tpu.dimension_semantics<core_parallel>, #tpu.dimension_semantics<subcore_parallel>], iteration_bounds = array<i64: 2, 16>, scalar_prefetch = 0 : i64, scratch_operands = 4 : i64, tpu.core_type = #tpu.core_type<sc_vector_subcore>, window_params = [{transform_indices = #map}, {transform_indices = #map1}, {transform_indices = #map1}]} {
    %mul3A = arith.constant 2 : i32
    %mul3A_0 = arith.muli %arg1, %mul3A : i32
    %add3A = arith.addi %mul3A_0, %arg0 : i32
    %mul3A_1 = arith.constant 32 : i32
    %mul3A_2 = arith.muli %add3A, %mul3A_1 : i32
    %mul3A_3 = arith.constant 20 : i32
    %mul3A_4 = arith.muli %mul3A_2, %mul3A_3 : i32
    "tpu.region"() ({
      %run_scoped3A = tpu.sem_alloc : memref<!tpu.dma_semaphore, #tpu.memory_space<semaphore_mem>>
      %dma_start3A_14 = tpu.memref_slice %arg2[%mul3A_4] : memref<20480xi32, #tpu.memory_space<hbm>> -> memref<640xi32, #tpu.memory_space<hbm>>
      %dma_start3A_15 = tpu.memref_slice %arg2[%mul3A_4] : memref<20480xi32, #tpu.memory_space<hbm>> -> memref<640xi32, #tpu.memory_space<hbm>>
      tpu.enqueue_dma source(%dma_start3A_15 : memref<640xi32, #tpu.memory_space<hbm>>) target(%arg5 : memref<640xi32, #tpu.memory_space<vmem>>) target_semaphore(%run_scoped3A : memref<!tpu.dma_semaphore, #tpu.memory_space<semaphore_mem>>)
      %dma_wait3A_16 = tpu.memref_slice %arg2[%mul3A_4] : memref<20480xi32, #tpu.memory_space<hbm>> -> memref<640xi32, #tpu.memory_space<hbm>>
      %dma_wait3A_17 = tpu.memref_slice %arg2[%mul3A_4] : memref<20480xi32, #tpu.memory_space<hbm>> -> memref<640xi32, #tpu.memory_space<hbm>>
      tpu.wait_dma2 semaphore(%run_scoped3A : memref<!tpu.dma_semaphore, #tpu.memory_space<semaphore_mem>>) src(%dma_wait3A_17 : memref<640xi32, #tpu.memory_space<hbm>>) dst(%arg5 : memref<640xi32, #tpu.memory_space<vmem>>)
      tpu.yield
    }) : () -> ()
    %dma_start3A = arith.constant 0 : i32
    %dma_start3A_5 = arith.constant 0 : i32
    %dma_start3A_6 = tpu.memref_slice %arg3[%dma_start3A, %dma_start3A_5] : memref<100000x16xf32, #tpu.memory_space<hbm>> -> memref<100000x16xf32, #tpu.memory_space<hbm>>
    tpu.enqueue_indirect_dma source(%dma_start3A_6 : memref<100000x16xf32, #tpu.memory_space<hbm>>) target(%arg6 : memref<640x16xf32, #tpu.memory_space<vmem>>) offsets(%arg5 : memref<640xi32, #tpu.memory_space<vmem>>) semaphore(%arg8 : memref<!tpu.dma_semaphore, #tpu.memory_space<semaphore_mem>>)
    %dma_wait3A = arith.constant 0 : i32
    %dma_wait3A_7 = arith.constant 0 : i32
    %dma_wait3A_8 = tpu.memref_slice %arg3[%dma_wait3A, %dma_wait3A_7] : memref<100000x16xf32, #tpu.memory_space<hbm>> -> memref<100000x16xf32, #tpu.memory_space<hbm>>
    tpu.wait_indirect_dma semaphore(%arg8 : memref<!tpu.dma_semaphore, #tpu.memory_space<semaphore_mem>>) src(%dma_wait3A_8 : memref<100000x16xf32, #tpu.memory_space<hbm>>) dst(%arg6 : memref<640x16xf32, #tpu.memory_space<vmem>>)
    %scan3A = arith.constant 0 : i32
    %scan3A_9 = arith.constant 0 : i32
    %scan3A_10 = arith.constant 32 : i32
    %scan3A_11 = arith.addi %scan3A_9, %scan3A_10 : i32
    %scan3A_12 = arith.constant 1 : i32
    scf.for %scan3A_14 = %scan3A_9 to %scan3A_11 step %scan3A_12  : i32 {
      %mul3A_15 = arith.constant 20 : i32
      %mul3A_16 = arith.muli %scan3A_14, %mul3A_15 : i32
      %get3A = arith.index_cast %mul3A_16 : i32 to index
      %get3A_17 = arith.constant 0 : index
      %get3A_18 = tpu.vector_load %arg6[%get3A, %get3A_17] {strides = array<i32>} : memref<640x16xf32, #tpu.memory_space<vmem>>, vector<1x16xf32>,
      %get3A_19 = vector.shape_cast %get3A_18 : vector<1x16xf32> to vector<16xf32>
      %mul3A_20 = arith.constant 20 : i32
      %mul3A_21 = arith.muli %scan3A_14, %mul3A_20 : i32
      %add3A_22 = arith.constant 1 : i32
      %add3A_23 = arith.addi %mul3A_21, %add3A_22 : i32
      %get3A_24 = arith.index_cast %add3A_23 : i32 to index
      %get3A_25 = arith.constant 0 : index
      %get3A_26 = tpu.vector_load %arg6[%get3A_24, %get3A_25] {strides = array<i32>} : memref<640x16xf32, #tpu.memory_space<vmem>>, vector<1x16xf32>,
      %get3A_27 = vector.shape_cast %get3A_26 : vector<1x16xf32> to vector<16xf32>
      %add3A_28 = arith.addf %get3A_19, %get3A_27 : vector<16xf32>
      %mul3A_29 = arith.constant 20 : i32
      %mul3A_30 = arith.muli %scan3A_14, %mul3A_29 : i32
      %add3A_31 = arith.constant 2 : i32
      %add3A_32 = arith.addi %mul3A_30, %add3A_31 : i32
      %get3A_33 = arith.index_cast %add3A_32 : i32 to index
      %get3A_34 = arith.constant 0 : index
      %get3A_35 = tpu.vector_load %arg6[%get3A_33, %get3A_34] {strides = array<i32>} : memref<640x16xf32, #tpu.memory_space<vmem>>, vector<1x16xf32>,
      %get3A_36 = vector.shape_cast %get3A_35 : vector<1x16xf32> to vector<16xf32>
      %add3A_37 = arith.addf %add3A_28, %get3A_36 : vector<16xf32>
      %mul3A_38 = arith.constant 20 : i32
      %mul3A_39 = arith.muli %scan3A_14, %mul3A_38 : i32
      %add3A_40 = arith.constant 3 : i32
      %add3A_41 = arith.addi %mul3A_39, %add3A_40 : i32
      %get3A_42 = arith.index_cast %add3A_41 : i32 to index
      %get3A_43 = arith.constant 0 : index
      %get3A_44 = tpu.vector_load %arg6[%get3A_42, %get3A_43] {strides = array<i32>} : memref<640x16xf32, #tpu.memory_space<vmem>>, vector<1x16xf32>,
      %get3A_45 = vector.shape_cast %get3A_44 : vector<1x16xf32> to vector<16xf32>
      %add3A_46 = arith.addf %add3A_37, %get3A_45 : vector<16xf32>
      %mul3A_47 = arith.constant 20 : i32
      %mul3A_48 = arith.muli %scan3A_14, %mul3A_47 : i32
      %add3A_49 = arith.constant 4 : i32
      %add3A_50 = arith.addi %mul3A_48, %add3A_49 : i32
      %get3A_51 = arith.index_cast %add3A_50 : i32 to index
      %get3A_52 = arith.constant 0 : index
      %get3A_53 = tpu.vector_load %arg6[%get3A_51, %get3A_52] {strides = array<i32>} : memref<640x16xf32, #tpu.memory_space<vmem>>, vector<1x16xf32>,
      %get3A_54 = vector.shape_cast %get3A_53 : vector<1x16xf32> to vector<16xf32>
      %add3A_55 = arith.addf %add3A_46, %get3A_54 : vector<16xf32>
      %mul3A_56 = arith.constant 20 : i32
      %mul3A_57 = arith.muli %scan3A_14, %mul3A_56 : i32
      %add3A_58 = arith.constant 5 : i32
      %add3A_59 = arith.addi %mul3A_57, %add3A_58 : i32
      %get3A_60 = arith.index_cast %add3A_59 : i32 to index
      %get3A_61 = arith.constant 0 : index
      %get3A_62 = tpu.vector_load %arg6[%get3A_60, %get3A_61] {strides = array<i32>} : memref<640x16xf32, #tpu.memory_space<vmem>>, vector<1x16xf32>,
      %get3A_63 = vector.shape_cast %get3A_62 : vector<1x16xf32> to vector<16xf32>
      %add3A_64 = arith.addf %add3A_55, %get3A_63 : vector<16xf32>
      %mul3A_65 = arith.constant 20 : i32
      %mul3A_66 = arith.muli %scan3A_14, %mul3A_65 : i32
      %add3A_67 = arith.constant 6 : i32
      %add3A_68 = arith.addi %mul3A_66, %add3A_67 : i32
      %get3A_69 = arith.index_cast %add3A_68 : i32 to index
      %get3A_70 = arith.constant 0 : index
      %get3A_71 = tpu.vector_load %arg6[%get3A_69, %get3A_70] {strides = array<i32>} : memref<640x16xf32, #tpu.memory_space<vmem>>, vector<1x16xf32>,
      %get3A_72 = vector.shape_cast %get3A_71 : vector<1x16xf32> to vector<16xf32>
      %add3A_73 = arith.addf %add3A_64, %get3A_72 : vector<16xf32>
      %mul3A_74 = arith.constant 20 : i32
      %mul3A_75 = arith.muli %scan3A_14, %mul3A_74 : i32
      %add3A_76 = arith.constant 7 : i32
      %add3A_77 = arith.addi %mul3A_75, %add3A_76 : i32
      %get3A_78 = arith.index_cast %add3A_77 : i32 to index
      %get3A_79 = arith.constant 0 : index
      %get3A_80 = tpu.vector_load %arg6[%get3A_78, %get3A_79] {strides = array<i32>} : memref<640x16xf32, #tpu.memory_space<vmem>>, vector<1x16xf32>,
      %get3A_81 = vector.shape_cast %get3A_80 : vector<1x16xf32> to vector<16xf32>
      %add3A_82 = arith.addf %add3A_73, %get3A_81 : vector<16xf32>
      %mul3A_83 = arith.constant 20 : i32
      %mul3A_84 = arith.muli %scan3A_14, %mul3A_83 : i32
      %add3A_85 = arith.constant 8 : i32
      %add3A_86 = arith.addi %mul3A_84, %add3A_85 : i32
      %get3A_87 = arith.index_cast %add3A_86 : i32 to index
      %get3A_88 = arith.constant 0 : index
      %get3A_89 = tpu.vector_load %arg6[%get3A_87, %get3A_88] {strides = array<i32>} : memref<640x16xf32, #tpu.memory_space<vmem>>, vector<1x16xf32>,
      %get3A_90 = vector.shape_cast %get3A_89 : vector<1x16xf32> to vector<16xf32>
      %add3A_91 = arith.addf %add3A_82, %get3A_90 : vector<16xf32>
      %mul3A_92 = arith.constant 20 : i32
      %mul3A_93 = arith.muli %scan3A_14, %mul3A_92 : i32
      %add3A_94 = arith.constant 9 : i32
      %add3A_95 = arith.addi %mul3A_93, %add3A_94 : i32
      %get3A_96 = arith.index_cast %add3A_95 : i32 to index
      %get3A_97 = arith.constant 0 : index
      %get3A_98 = tpu.vector_load %arg6[%get3A_96, %get3A_97] {strides = array<i32>} : memref<640x16xf32, #tpu.memory_space<vmem>>, vector<1x16xf32>,
      %get3A_99 = vector.shape_cast %get3A_98 : vector<1x16xf32> to vector<16xf32>
      %add3A_100 = arith.addf %add3A_91, %get3A_99 : vector<16xf32>
      %mul3A_101 = arith.constant 20 : i32
      %mul3A_102 = arith.muli %scan3A_14, %mul3A_101 : i32
      %add3A_103 = arith.constant 10 : i32
      %add3A_104 = arith.addi %mul3A_102, %add3A_103 : i32
      %get3A_105 = arith.index_cast %add3A_104 : i32 to index
      %get3A_106 = arith.constant 0 : index
      %get3A_107 = tpu.vector_load %arg6[%get3A_105, %get3A_106] {strides = array<i32>} : memref<640x16xf32, #tpu.memory_space<vmem>>, vector<1x16xf32>,
      %get3A_108 = vector.shape_cast %get3A_107 : vector<1x16xf32> to vector<16xf32>
      %add3A_109 = arith.addf %add3A_100, %get3A_108 : vector<16xf32>
      %mul3A_110 = arith.constant 20 : i32
      %mul3A_111 = arith.muli %scan3A_14, %mul3A_110 : i32
      %add3A_112 = arith.constant 11 : i32
      %add3A_113 = arith.addi %mul3A_111, %add3A_112 : i32
      %get3A_114 = arith.index_cast %add3A_113 : i32 to index
      %get3A_115 = arith.constant 0 : index
      %get3A_116 = tpu.vector_load %arg6[%get3A_114, %get3A_115] {strides = array<i32>} : memref<640x16xf32, #tpu.memory_space<vmem>>, vector<1x16xf32>,
      %get3A_117 = vector.shape_cast %get3A_116 : vector<1x16xf32> to vector<16xf32>
      %add3A_118 = arith.addf %add3A_109, %get3A_117 : vector<16xf32>
      %mul3A_119 = arith.constant 20 : i32
      %mul3A_120 = arith.muli %scan3A_14, %mul3A_119 : i32
      %add3A_121 = arith.constant 12 : i32
      %add3A_122 = arith.addi %mul3A_120, %add3A_121 : i32
      %get3A_123 = arith.index_cast %add3A_122 : i32 to index
      %get3A_124 = arith.constant 0 : index
      %get3A_125 = tpu.vector_load %arg6[%get3A_123, %get3A_124] {strides = array<i32>} : memref<640x16xf32, #tpu.memory_space<vmem>>, vector<1x16xf32>,
      %get3A_126 = vector.shape_cast %get3A_125 : vector<1x16xf32> to vector<16xf32>
      %add3A_127 = arith.addf %add3A_118, %get3A_126 : vector<16xf32>
      %mul3A_128 = arith.constant 20 : i32
      %mul3A_129 = arith.muli %scan3A_14, %mul3A_128 : i32
      %add3A_130 = arith.constant 13 : i32
      %add3A_131 = arith.addi %mul3A_129, %add3A_130 : i32
      %get3A_132 = arith.index_cast %add3A_131 : i32 to index
      %get3A_133 = arith.constant 0 : index
      %get3A_134 = tpu.vector_load %arg6[%get3A_132, %get3A_133] {strides = array<i32>} : memref<640x16xf32, #tpu.memory_space<vmem>>, vector<1x16xf32>,
      %get3A_135 = vector.shape_cast %get3A_134 : vector<1x16xf32> to vector<16xf32>
      %add3A_136 = arith.addf %add3A_127, %get3A_135 : vector<16xf32>
      %mul3A_137 = arith.constant 20 : i32
      %mul3A_138 = arith.muli %scan3A_14, %mul3A_137 : i32
      %add3A_139 = arith.constant 14 : i32
      %add3A_140 = arith.addi %mul3A_138, %add3A_139 : i32
      %get3A_141 = arith.index_cast %add3A_140 : i32 to index
      %get3A_142 = arith.constant 0 : index
      %get3A_143 = tpu.vector_load %arg6[%get3A_141, %get3A_142] {strides = array<i32>} : memref<640x16xf32, #tpu.memory_space<vmem>>, vector<1x16xf32>,
      %get3A_144 = vector.shape_cast %get3A_143 : vector<1x16xf32> to vector<16xf32>
      %add3A_145 = arith.addf %add3A_136, %get3A_144 : vector<16xf32>
      %mul3A_146 = arith.constant 20 : i32
      %mul3A_147 = arith.muli %scan3A_14, %mul3A_146 : i32
      %add3A_148 = arith.constant 15 : i32
      %add3A_149 = arith.addi %mul3A_147, %add3A_148 : i32
      %get3A_150 = arith.index_cast %add3A_149 : i32 to index
      %get3A_151 = arith.constant 0 : index
      %get3A_152 = tpu.vector_load %arg6[%get3A_150, %get3A_151] {strides = array<i32>} : memref<640x16xf32, #tpu.memory_space<vmem>>, vector<1x16xf32>,
      %get3A_153 = vector.shape_cast %get3A_152 : vector<1x16xf32> to vector<16xf32>
      %add3A_154 = arith.addf %add3A_145, %get3A_153 : vector<16xf32>
      %mul3A_155 = arith.constant 20 : i32
      %mul3A_156 = arith.muli %scan3A_14, %mul3A_155 : i32
      %add3A_157 = arith.constant 16 : i32
      %add3A_158 = arith.addi %mul3A_156, %add3A_157 : i32
      %get3A_159 = arith.index_cast %add3A_158 : i32 to index
      %get3A_160 = arith.constant 0 : index
      %get3A_161 = tpu.vector_load %arg6[%get3A_159, %get3A_160] {strides = array<i32>} : memref<640x16xf32, #tpu.memory_space<vmem>>, vector<1x16xf32>,
      %get3A_162 = vector.shape_cast %get3A_161 : vector<1x16xf32> to vector<16xf32>
      %add3A_163 = arith.addf %add3A_154, %get3A_162 : vector<16xf32>
      %mul3A_164 = arith.constant 20 : i32
      %mul3A_165 = arith.muli %scan3A_14, %mul3A_164 : i32
      %add3A_166 = arith.constant 17 : i32
      %add3A_167 = arith.addi %mul3A_165, %add3A_166 : i32
      %get3A_168 = arith.index_cast %add3A_167 : i32 to index
      %get3A_169 = arith.constant 0 : index
      %get3A_170 = tpu.vector_load %arg6[%get3A_168, %get3A_169] {strides = array<i32>} : memref<640x16xf32, #tpu.memory_space<vmem>>, vector<1x16xf32>,
      %get3A_171 = vector.shape_cast %get3A_170 : vector<1x16xf32> to vector<16xf32>
      %add3A_172 = arith.addf %add3A_163, %get3A_171 : vector<16xf32>
      %mul3A_173 = arith.constant 20 : i32
      %mul3A_174 = arith.muli %scan3A_14, %mul3A_173 : i32
      %add3A_175 = arith.constant 18 : i32
      %add3A_176 = arith.addi %mul3A_174, %add3A_175 : i32
      %get3A_177 = arith.index_cast %add3A_176 : i32 to index
      %get3A_178 = arith.constant 0 : index
      %get3A_179 = tpu.vector_load %arg6[%get3A_177, %get3A_178] {strides = array<i32>} : memref<640x16xf32, #tpu.memory_space<vmem>>, vector<1x16xf32>,
      %get3A_180 = vector.shape_cast %get3A_179 : vector<1x16xf32> to vector<16xf32>
      %add3A_181 = arith.addf %add3A_172, %get3A_180 : vector<16xf32>
      %mul3A_182 = arith.constant 20 : i32
      %mul3A_183 = arith.muli %scan3A_14, %mul3A_182 : i32
      %add3A_184 = arith.constant 19 : i32
      %add3A_185 = arith.addi %mul3A_183, %add3A_184 : i32
      %get3A_186 = arith.index_cast %add3A_185 : i32 to index
      %get3A_187 = arith.constant 0 : index
      %get3A_188 = tpu.vector_load %arg6[%get3A_186, %get3A_187] {strides = array<i32>} : memref<640x16xf32, #tpu.memory_space<vmem>>, vector<1x16xf32>,
      %get3A_189 = vector.shape_cast %get3A_188 : vector<1x16xf32> to vector<16xf32>
      %add3A_190 = arith.addf %add3A_181, %get3A_189 : vector<16xf32>
      %mul3A_191 = arith.constant 5.000000e-02 : f32
      %mul3A_192 = vector.broadcast %mul3A_191 : f32 to vector<16xf32>
      %mul3A_193 = arith.mulf %add3A_190, %mul3A_192 : vector<16xf32>
      %swap3A = arith.index_cast %scan3A_14 : i32 to index
      %swap3A_194 = arith.constant 0 : index
      %swap3A_195 = tpu.vector_load %arg7[%swap3A, %swap3A_194] {strides = array<i32>} : memref<32x16xf32, #tpu.memory_space<vmem>>, vector<1x16xf32>,
      %swap3A_196 = vector.shape_cast %swap3A_195 : vector<1x16xf32> to vector<16xf32>
      %swap3A_197 = vector.shape_cast %mul3A_193 : vector<16xf32> to vector<1x16xf32>
      tpu.vector_store %arg7[%swap3A, %swap3A_194], %swap3A_197 {strides = array<i32>} : memref<32x16xf32, #tpu.memory_space<vmem>>, vector<1x16xf32>,
    }
    %scan3A_13 = arith.constant 32 : i32
    "tpu.region"() ({
      %run_scoped3A = tpu.sem_alloc : memref<!tpu.dma_semaphore, #tpu.memory_space<semaphore_mem>>
      %dma_start3A_14 = arith.constant 0 : i32
      %dma_start3A_15 = tpu.memref_slice %arg4[%mul3A_2, %dma_start3A_14] : memref<1024x16xf32, #tpu.memory_space<hbm>> -> memref<32x16xf32, #tpu.memory_space<hbm>>
      %dma_start3A_16 = arith.constant 0 : i32
      %dma_start3A_17 = tpu.memref_slice %arg4[%mul3A_2, %dma_start3A_16] : memref<1024x16xf32, #tpu.memory_space<hbm>> -> memref<32x16xf32, #tpu.memory_space<hbm>>
      tpu.enqueue_dma source(%arg7 : memref<32x16xf32, #tpu.memory_space<vmem>>) target(%dma_start3A_17 : memref<32x16xf32, #tpu.memory_space<hbm>>) target_semaphore(%run_scoped3A : memref<!tpu.dma_semaphore, #tpu.memory_space<semaphore_mem>>)
      %dma_wait3A_18 = arith.constant 0 : i32
      %dma_wait3A_19 = tpu.memref_slice %arg4[%mul3A_2, %dma_wait3A_18] : memref<1024x16xf32, #tpu.memory_space<hbm>> -> memref<32x16xf32, #tpu.memory_space<hbm>>
      %dma_wait3A_20 = arith.constant 0 : i32
      %dma_wait3A_21 = tpu.memref_slice %arg4[%mul3A_2, %dma_wait3A_20] : memref<1024x16xf32, #tpu.memory_space<hbm>> -> memref<32x16xf32, #tpu.memory_space<hbm>>
      tpu.wait_dma2 semaphore(%run_scoped3A : memref<!tpu.dma_semaphore, #tpu.memory_space<semaphore_mem>>) src(%arg7 : memref<32x16xf32, #tpu.memory_space<vmem>>) dst(%dma_wait3A_21 : memref<32x16xf32, #tpu.memory_space<hbm>>)
      tpu.yield
    }) : () -> ()
    return
  }
}

module attributes {stable_mosaic.version = 14 : i64} {
  func.func @_proj_body(%arg0: i32, %arg1: memref<16x16xf32, #tpu.memory_space<vmem>>, %arg2: memref<16x100000xf32, #tpu.memory_space<vmem>>, %arg3: memref<1024x100000xf32, #tpu.memory_space<any>>, %arg4: memref<6x16x100000xf32, #tpu.memory_space<vmem>>, %arg5: memref<6x!tpu.dma_semaphore, #tpu.memory_space<semaphore_mem>>) attributes {dimension_semantics = [#tpu.dimension_semantics<arbitrary>], iteration_bounds = array<i64: 64>, scalar_prefetch = 0 : i64, scratch_operands = 2 : i64, tpu.core_type = #tpu.core_type<tc>, window_params = [{transform_indices = @transform_0, window_bounds = array<i64: 16, 16>}, {pipeline_mode = #tpu.pipeline_mode<synchronous>, transform_indices = @transform_1, window_bounds = array<i64: 16, 100000>}, {}]} {
    %rem3A = arith.constant 6 : i32
    %rem3A_0 = arith.remsi %arg0, %rem3A : i32
    %ge3A = arith.constant 6 : i32
    %ge3A_1 = arith.cmpi sge, %arg0, %ge3A : i32
    %convert_element_type3A = arith.extui %ge3A_1 : i1 to i32
    %cond3A = arith.constant 0 : i32
    %cond3A_2 = arith.cmpi ne, %convert_element_type3A, %cond3A : i32
    scf.if %cond3A_2 {
      %dma_wait3A = tpu.memref_slice %arg5[%rem3A_0] : memref<6x!tpu.dma_semaphore, #tpu.memory_space<semaphore_mem>> -> memref<1x!tpu.dma_semaphore, #tpu.memory_space<semaphore_mem>>
      %dma_wait3A_26 = tpu.memref_squeeze %dma_wait3A : memref<1x!tpu.dma_semaphore, #tpu.memory_space<semaphore_mem>> -> memref<!tpu.dma_semaphore, #tpu.memory_space<semaphore_mem>>
      %dma_wait3A_27 = arith.constant 0 : i32
      %dma_wait3A_28 = arith.constant 0 : i32
      %dma_wait3A_29 = tpu.memref_slice %arg3[%dma_wait3A_27, %dma_wait3A_28] : memref<1024x100000xf32, #tpu.memory_space<any>> -> memref<16x100000xf32, #tpu.memory_space<any>>
      %dma_wait3A_30 = arith.constant 0 : i32
      %dma_wait3A_31 = arith.constant 0 : i32
      %dma_wait3A_32 = tpu.memref_slice %arg4[%rem3A_0, %dma_wait3A_30, %dma_wait3A_31] : memref<6x16x100000xf32, #tpu.memory_space<vmem>> -> memref<1x16x100000xf32, #tpu.memory_space<vmem>>
      %dma_wait3A_33 = tpu.memref_squeeze %dma_wait3A_32 : memref<1x16x100000xf32, #tpu.memory_space<vmem>> -> memref<16x100000xf32, #tpu.memory_space<vmem>>
      tpu.wait_dma2 semaphore(%dma_wait3A_26 : memref<!tpu.dma_semaphore, #tpu.memory_space<semaphore_mem>>) src(%dma_wait3A_33 : memref<16x100000xf32, #tpu.memory_space<vmem>>) dst(%dma_wait3A_29 : memref<16x100000xf32, #tpu.memory_space<any>>)
    } else {
    }
    %get3A = arith.constant 0 : index
    %get3A_3 = arith.constant 0 : index
    %get3A_4 = vector.load %arg1[%get3A, %get3A_3] : memref<16x16xf32, #tpu.memory_space<vmem>>, vector<16x16xf32>
    %get3A_5 = arith.constant 0 : index
    %get3A_6 = arith.constant 0 : index
    %get3A_7 = vector.load %arg2[%get3A_5, %get3A_6] : memref<16x100000xf32, #tpu.memory_space<vmem>>, vector<16x100000xf32>
    %dot_general3A = arith.constant dense<0.000000e+00> : vector<16x100000xf32>
    %dot_general3A_8 = tpu.matmul %get3A_4, %get3A_7, %dot_general3A {dimension_numbers = #tpu.dot_dimension_numbers<[1], [0], [0], [1], [0, 0, 1, 1], [], []>, transpose_lhs_hint = false} : vector<16x16xf32>, vector<16x100000xf32>, vector<16x100000xf32> -> vector<16x100000xf32>
    %swap3A = arith.index_cast %rem3A_0 : i32 to index
    %swap3A_9 = arith.constant 0 : index
    %swap3A_10 = arith.constant 0 : index
    %swap3A_11 = vector.load %arg4[%swap3A, %swap3A_9, %swap3A_10] : memref<6x16x100000xf32, #tpu.memory_space<vmem>>, vector<1x16x100000xf32>
    %swap3A_12 = vector.shape_cast %swap3A_11 : vector<1x16x100000xf32> to vector<16x100000xf32>
    %swap3A_13 = vector.shape_cast %dot_general3A_8 : vector<16x100000xf32> to vector<1x16x100000xf32>
    tpu.vector_store %arg4[%swap3A, %swap3A_9, %swap3A_10], %swap3A_13 {strides = array<i32>} : memref<6x16x100000xf32, #tpu.memory_space<vmem>>, vector<1x16x100000xf32>,
    %mul3A = arith.constant 16 : i32
    %mul3A_14 = arith.muli %arg0, %mul3A : i32
    %dma_start3A = tpu.memref_slice %arg5[%rem3A_0] : memref<6x!tpu.dma_semaphore, #tpu.memory_space<semaphore_mem>> -> memref<1x!tpu.dma_semaphore, #tpu.memory_space<semaphore_mem>>
    %dma_start3A_15 = tpu.memref_squeeze %dma_start3A : memref<1x!tpu.dma_semaphore, #tpu.memory_space<semaphore_mem>> -> memref<!tpu.dma_semaphore, #tpu.memory_space<semaphore_mem>>
    %dma_start3A_16 = arith.constant 0 : i32
    %dma_start3A_17 = tpu.memref_slice %arg3[%mul3A_14, %dma_start3A_16] : memref<1024x100000xf32, #tpu.memory_space<any>> -> memref<16x100000xf32, #tpu.memory_space<any>>
    %dma_start3A_18 = arith.constant 0 : i32
    %dma_start3A_19 = arith.constant 0 : i32
    %dma_start3A_20 = tpu.memref_slice %arg4[%rem3A_0, %dma_start3A_18, %dma_start3A_19] : memref<6x16x100000xf32, #tpu.memory_space<vmem>> -> memref<1x16x100000xf32, #tpu.memory_space<vmem>>
    %dma_start3A_21 = tpu.memref_squeeze %dma_start3A_20 : memref<1x16x100000xf32, #tpu.memory_space<vmem>> -> memref<16x100000xf32, #tpu.memory_space<vmem>>
    tpu.enqueue_dma source(%dma_start3A_21 : memref<16x100000xf32, #tpu.memory_space<vmem>>) target(%dma_start3A_17 : memref<16x100000xf32, #tpu.memory_space<any>>) target_semaphore(%dma_start3A_15 : memref<!tpu.dma_semaphore, #tpu.memory_space<semaphore_mem>>)
    %eq3A = arith.constant 63 : i32
    %eq3A_22 = arith.cmpi eq, %arg0, %eq3A : i32
    %convert_element_type3A_23 = arith.extui %eq3A_22 : i1 to i32
    %cond3A_24 = arith.constant 0 : i32
    %cond3A_25 = arith.cmpi ne, %convert_element_type3A_23, %cond3A_24 : i32
    scf.if %cond3A_25 {
      %dma_wait3A = arith.constant 0 : i32
      %dma_wait3A_26 = arith.constant 0 : i32
      %dma_wait3A_27 = tpu.memref_slice %arg5[%dma_wait3A_26] : memref<6x!tpu.dma_semaphore, #tpu.memory_space<semaphore_mem>> -> memref<1x!tpu.dma_semaphore, #tpu.memory_space<semaphore_mem>>
      %dma_wait3A_28 = tpu.memref_squeeze %dma_wait3A_27 : memref<1x!tpu.dma_semaphore, #tpu.memory_space<semaphore_mem>> -> memref<!tpu.dma_semaphore, #tpu.memory_space<semaphore_mem>>
      %dma_wait3A_29 = arith.constant 0 : i32
      %dma_wait3A_30 = arith.constant 0 : i32
      %dma_wait3A_31 = tpu.memref_slice %arg3[%dma_wait3A_29, %dma_wait3A_30] : memref<1024x100000xf32, #tpu.memory_space<any>> -> memref<16x100000xf32, #tpu.memory_space<any>>
      %dma_wait3A_32 = arith.constant 0 : i32
      %dma_wait3A_33 = arith.constant 0 : i32
      %dma_wait3A_34 = tpu.memref_slice %arg4[%dma_wait3A, %dma_wait3A_32, %dma_wait3A_33] : memref<6x16x100000xf32, #tpu.memory_space<vmem>> -> memref<1x16x100000xf32, #tpu.memory_space<vmem>>
      %dma_wait3A_35 = tpu.memref_squeeze %dma_wait3A_34 : memref<1x16x100000xf32, #tpu.memory_space<vmem>> -> memref<16x100000xf32, #tpu.memory_space<vmem>>
      tpu.wait_dma2 semaphore(%dma_wait3A_28 : memref<!tpu.dma_semaphore, #tpu.memory_space<semaphore_mem>>) src(%dma_wait3A_35 : memref<16x100000xf32, #tpu.memory_space<vmem>>) dst(%dma_wait3A_31 : memref<16x100000xf32, #tpu.memory_space<any>>)
      %dma_wait3A_36 = arith.constant 1 : i32
      %dma_wait3A_37 = arith.constant 1 : i32
      %dma_wait3A_38 = tpu.memref_slice %arg5[%dma_wait3A_37] : memref<6x!tpu.dma_semaphore, #tpu.memory_space<semaphore_mem>> -> memref<1x!tpu.dma_semaphore, #tpu.memory_space<semaphore_mem>>
      %dma_wait3A_39 = tpu.memref_squeeze %dma_wait3A_38 : memref<1x!tpu.dma_semaphore, #tpu.memory_space<semaphore_mem>> -> memref<!tpu.dma_semaphore, #tpu.memory_space<semaphore_mem>>
      %dma_wait3A_40 = arith.constant 0 : i32
      %dma_wait3A_41 = arith.constant 0 : i32
      %dma_wait3A_42 = tpu.memref_slice %arg3[%dma_wait3A_40, %dma_wait3A_41] : memref<1024x100000xf32, #tpu.memory_space<any>> -> memref<16x100000xf32, #tpu.memory_space<any>>
      %dma_wait3A_43 = arith.constant 0 : i32
      %dma_wait3A_44 = arith.constant 0 : i32
      %dma_wait3A_45 = tpu.memref_slice %arg4[%dma_wait3A_36, %dma_wait3A_43, %dma_wait3A_44] : memref<6x16x100000xf32, #tpu.memory_space<vmem>> -> memref<1x16x100000xf32, #tpu.memory_space<vmem>>
      %dma_wait3A_46 = tpu.memref_squeeze %dma_wait3A_45 : memref<1x16x100000xf32, #tpu.memory_space<vmem>> -> memref<16x100000xf32, #tpu.memory_space<vmem>>
      tpu.wait_dma2 semaphore(%dma_wait3A_39 : memref<!tpu.dma_semaphore, #tpu.memory_space<semaphore_mem>>) src(%dma_wait3A_46 : memref<16x100000xf32, #tpu.memory_space<vmem>>) dst(%dma_wait3A_42 : memref<16x100000xf32, #tpu.memory_space<any>>)
      %dma_wait3A_47 = arith.constant 2 : i32
      %dma_wait3A_48 = arith.constant 2 : i32
      %dma_wait3A_49 = tpu.memref_slice %arg5[%dma_wait3A_48] : memref<6x!tpu.dma_semaphore, #tpu.memory_space<semaphore_mem>> -> memref<1x!tpu.dma_semaphore, #tpu.memory_space<semaphore_mem>>
      %dma_wait3A_50 = tpu.memref_squeeze %dma_wait3A_49 : memref<1x!tpu.dma_semaphore, #tpu.memory_space<semaphore_mem>> -> memref<!tpu.dma_semaphore, #tpu.memory_space<semaphore_mem>>
      %dma_wait3A_51 = arith.constant 0 : i32
      %dma_wait3A_52 = arith.constant 0 : i32
      %dma_wait3A_53 = tpu.memref_slice %arg3[%dma_wait3A_51, %dma_wait3A_52] : memref<1024x100000xf32, #tpu.memory_space<any>> -> memref<16x100000xf32, #tpu.memory_space<any>>
      %dma_wait3A_54 = arith.constant 0 : i32
      %dma_wait3A_55 = arith.constant 0 : i32
      %dma_wait3A_56 = tpu.memref_slice %arg4[%dma_wait3A_47, %dma_wait3A_54, %dma_wait3A_55] : memref<6x16x100000xf32, #tpu.memory_space<vmem>> -> memref<1x16x100000xf32, #tpu.memory_space<vmem>>
      %dma_wait3A_57 = tpu.memref_squeeze %dma_wait3A_56 : memref<1x16x100000xf32, #tpu.memory_space<vmem>> -> memref<16x100000xf32, #tpu.memory_space<vmem>>
      tpu.wait_dma2 semaphore(%dma_wait3A_50 : memref<!tpu.dma_semaphore, #tpu.memory_space<semaphore_mem>>) src(%dma_wait3A_57 : memref<16x100000xf32, #tpu.memory_space<vmem>>) dst(%dma_wait3A_53 : memref<16x100000xf32, #tpu.memory_space<any>>)
      %dma_wait3A_58 = arith.constant 3 : i32
      %dma_wait3A_59 = arith.constant 3 : i32
      %dma_wait3A_60 = tpu.memref_slice %arg5[%dma_wait3A_59] : memref<6x!tpu.dma_semaphore, #tpu.memory_space<semaphore_mem>> -> memref<1x!tpu.dma_semaphore, #tpu.memory_space<semaphore_mem>>
      %dma_wait3A_61 = tpu.memref_squeeze %dma_wait3A_60 : memref<1x!tpu.dma_semaphore, #tpu.memory_space<semaphore_mem>> -> memref<!tpu.dma_semaphore, #tpu.memory_space<semaphore_mem>>
      %dma_wait3A_62 = arith.constant 0 : i32
      %dma_wait3A_63 = arith.constant 0 : i32
      %dma_wait3A_64 = tpu.memref_slice %arg3[%dma_wait3A_62, %dma_wait3A_63] : memref<1024x100000xf32, #tpu.memory_space<any>> -> memref<16x100000xf32, #tpu.memory_space<any>>
      %dma_wait3A_65 = arith.constant 0 : i32
      %dma_wait3A_66 = arith.constant 0 : i32
      %dma_wait3A_67 = tpu.memref_slice %arg4[%dma_wait3A_58, %dma_wait3A_65, %dma_wait3A_66] : memref<6x16x100000xf32, #tpu.memory_space<vmem>> -> memref<1x16x100000xf32, #tpu.memory_space<vmem>>
      %dma_wait3A_68 = tpu.memref_squeeze %dma_wait3A_67 : memref<1x16x100000xf32, #tpu.memory_space<vmem>> -> memref<16x100000xf32, #tpu.memory_space<vmem>>
      tpu.wait_dma2 semaphore(%dma_wait3A_61 : memref<!tpu.dma_semaphore, #tpu.memory_space<semaphore_mem>>) src(%dma_wait3A_68 : memref<16x100000xf32, #tpu.memory_space<vmem>>) dst(%dma_wait3A_64 : memref<16x100000xf32, #tpu.memory_space<any>>)
      %dma_wait3A_69 = arith.constant 4 : i32
      %dma_wait3A_70 = arith.constant 4 : i32
      %dma_wait3A_71 = tpu.memref_slice %arg5[%dma_wait3A_70] : memref<6x!tpu.dma_semaphore, #tpu.memory_space<semaphore_mem>> -> memref<1x!tpu.dma_semaphore, #tpu.memory_space<semaphore_mem>>
      %dma_wait3A_72 = tpu.memref_squeeze %dma_wait3A_71 : memref<1x!tpu.dma_semaphore, #tpu.memory_space<semaphore_mem>> -> memref<!tpu.dma_semaphore, #tpu.memory_space<semaphore_mem>>
      %dma_wait3A_73 = arith.constant 0 : i32
      %dma_wait3A_74 = arith.constant 0 : i32
      %dma_wait3A_75 = tpu.memref_slice %arg3[%dma_wait3A_73, %dma_wait3A_74] : memref<1024x100000xf32, #tpu.memory_space<any>> -> memref<16x100000xf32, #tpu.memory_space<any>>
      %dma_wait3A_76 = arith.constant 0 : i32
      %dma_wait3A_77 = arith.constant 0 : i32
      %dma_wait3A_78 = tpu.memref_slice %arg4[%dma_wait3A_69, %dma_wait3A_76, %dma_wait3A_77] : memref<6x16x100000xf32, #tpu.memory_space<vmem>> -> memref<1x16x100000xf32, #tpu.memory_space<vmem>>
      %dma_wait3A_79 = tpu.memref_squeeze %dma_wait3A_78 : memref<1x16x100000xf32, #tpu.memory_space<vmem>> -> memref<16x100000xf32, #tpu.memory_space<vmem>>
      tpu.wait_dma2 semaphore(%dma_wait3A_72 : memref<!tpu.dma_semaphore, #tpu.memory_space<semaphore_mem>>) src(%dma_wait3A_79 : memref<16x100000xf32, #tpu.memory_space<vmem>>) dst(%dma_wait3A_75 : memref<16x100000xf32, #tpu.memory_space<any>>)
      %dma_wait3A_80 = arith.constant 5 : i32
      %dma_wait3A_81 = arith.constant 5 : i32
      %dma_wait3A_82 = tpu.memref_slice %arg5[%dma_wait3A_81] : memref<6x!tpu.dma_semaphore, #tpu.memory_space<semaphore_mem>> -> memref<1x!tpu.dma_semaphore, #tpu.memory_space<semaphore_mem>>
      %dma_wait3A_83 = tpu.memref_squeeze %dma_wait3A_82 : memref<1x!tpu.dma_semaphore, #tpu.memory_space<semaphore_mem>> -> memref<!tpu.dma_semaphore, #tpu.memory_space<semaphore_mem>>
      %dma_wait3A_84 = arith.constant 0 : i32
      %dma_wait3A_85 = arith.constant 0 : i32
      %dma_wait3A_86 = tpu.memref_slice %arg3[%dma_wait3A_84, %dma_wait3A_85] : memref<1024x100000xf32, #tpu.memory_space<any>> -> memref<16x100000xf32, #tpu.memory_space<any>>
      %dma_wait3A_87 = arith.constant 0 : i32
      %dma_wait3A_88 = arith.constant 0 : i32
      %dma_wait3A_89 = tpu.memref_slice %arg4[%dma_wait3A_80, %dma_wait3A_87, %dma_wait3A_88] : memref<6x16x100000xf32, #tpu.memory_space<vmem>> -> memref<1x16x100000xf32, #tpu.memory_space<vmem>>
      %dma_wait3A_90 = tpu.memref_squeeze %dma_wait3A_89 : memref<1x16x100000xf32, #tpu.memory_space<vmem>> -> memref<16x100000xf32, #tpu.memory_space<vmem>>
      tpu.wait_dma2 semaphore(%dma_wait3A_83 : memref<!tpu.dma_semaphore, #tpu.memory_space<semaphore_mem>>) src(%dma_wait3A_90 : memref<16x100000xf32, #tpu.memory_space<vmem>>) dst(%dma_wait3A_86 : memref<16x100000xf32, #tpu.memory_space<any>>)
    } else {
    }
    return
  }
  func.func @transform_0(%arg0: i32) -> (i32, i32) {
    %c0_i32 = arith.constant 0 : i32
    %c0_i32_0 = arith.constant 0 : i32
    return %arg0, %c0_i32 : i32, i32
  }
  func.func @transform_1(%arg0: i32) -> (i32, i32) {
    %c0_i32 = arith.constant 0 : i32
    %c0_i32_0 = arith.constant 0 : i32
    %c0_i32_1 = arith.constant 0 : i32
    return %c0_i32, %c0_i32_0 : i32, i32
  }
}

</mosaic_0001>

<sc_bundles>
// kernel: kernel.4.cloned.1.call-start
scs
__scs_entry_jumppad:
0x0: {  	(pc) =	sbr.rel $0x88, $3  }
0x1: {  	(tag) =	ssettag $0x0;
	lr =	simm.s32 $0x1  }
0x2: {  	[smem:$0x3F9E] =	sst lr;
	_ =	strace $0xD0000000  }
0x3: {  	_ = 	snop  }
0x4: {  	_ = 	snop  }
0x5: {  	_ = 	snop  }
0x6: {  	_ = 	snop  }
0x7: {  	_ = 	snop  }
__scs_overlays_trampoline_lowered:
0x8: {  	[smem:$0x3FAD] =	sst s0  }
0x9: {  	[smem:$0x3FAE] =	sst s1  }
0xa: {  	[smem:$0x3FAF] =	sst s2  }
0xb: {  	[smem:$0x3FB0] =	sst s3  }
0xc: {  	[smem:$0x3FB1] =	sst s4  }
0xd: {  	[smem:$0x3FB2] =	sst s5  }
0xe: {  	[smem:$0x3FB3] =	sst s6  }
0xf: {  	[smem:$0x3FB4] =	sst s7  }
0x10: {  	[smem:$0x3FB5] =	sst s8  }
0x11: {  	[smem:$0x3FB6] =	sst s9;
	s0 =	simm.s32 @!p0 $0x0  }
0x12: {  	s1 =	sld [smem:$0x3F9C];
	s0 =	simm.s32 @p0 $0x1  }
0x13: {  	[smem:$0x3FB7] =	sst s0;
	s0 =	simm.s32 @!p1 $0x0  }
0x14: {  	s2 =	sld [smem:$0x3F9B];
	s0 =	simm.s32 @p1 $0x1  }
0x15: {  	[smem:$0x3FB8] =	sst s0;
	s0 =	simm.s32 @!p2 $0x0  }
0x16: {  	s3 =	sld [smem:$0x3FDB];
	s0 =	simm.s32 @p2 $0x1  }
0x17: {  	s4 =	simm.s32 $0x1BF5;
	[smem:$0x3FBA] =	sst s0  }
0x18: {  	s0 =	sld [smem:$0x3F9D];
	_ =	swait.ge [sflag:s4], $0x0  }
0x19: {  	s7 =	sld [smem:$0x3F9E]  }
0x1a: {  	s8 =	sadd.s32 $0xFFFFE003, lr  }
0x1b: {  	s9 =	sadd.s32 $0xFFFFFEF7, lr;
	s5 =	simm.s32 $0xFFFFFFFF;
	p2 =	slt.u32 s8, $0xFFFFF086  }
0x1c: {  	p1 =	slt.u32 s9, $0xF7A;
	s5 =	simm.s32 @!p2 $0x0  }
0x1d: {  	s5 =	simm.s32 @p1 $0x1;
	p0 =	seq.s32 s7, s2  }
0x1e: {  	s7 =	smul.u32 @!p0 $0xF7A, s2;
	p2 =	seq.s32 @!p0 s5, $0x0  }
0x1f: {  	s9 =	smul.u32 $0xF7A, s1;
	s8 =	simm.s32 @!p0 $0x1BF5;
	p2 =	por !p2, p0  }
0x20: {  	[sflag:s8] =	ssyncset.s32 @!p0 $0xFFFFF086;
	s6 =	sadd.s32 @!p0 s3, s7;
	s7 =	simm.s32 @!p0 $0x108  }
0x21: {  	s3 =	sadd.s32 s3, s9;
	s6 =	sadd.s32 @!p0 $0x88, s6;
	s7 =	simm.s32 @p2 $0x1082  }
0x22: {  	[simem:s7], [sflag:s8] =	dma.local @!p0 [hbm:s6], $0xF7A  }
0x23: {  	s9 =	sor.u32 $0xD0000000, s2;
	s6 =	simm.s32 $0x108;
	_ =	swait.ge @!p0 [sflag:s8], $0x0  }
0x24: {  	s3 =	sadd.s32 $0x88, s3;
	s6 =	simm.s32 @!p1 $0x1082;
	[sflag:s4] =	ssyncset.s32 $0xFFFFF086  }
0x25: {  	[simem:s6], [sflag:s4] =	dma.local [hbm:s3], $0xF7A  }
0x26: {  	[smem:$0x3F9E] =	sst s1;
	(tag) =	ssettag s2;
	_ =	strace s9  }
0x27: {  	s1 =	sld [smem:$0x3FAE]  }
0x28: {  	s2 =	sld [smem:$0x3FAF]  }
0x29: {  	s4 =	sld [smem:$0x3FB1]  }
0x2a: {  	p0 =	seq.s32 s5, $0x0;
	s5 =	sld [smem:$0x3FB2]  }
0x2b: {  	s6 =	sld [smem:$0x3FB3]  }
0x2c: {  	s7 =	sld [smem:$0x3FB4]  }
0x2d: {  	s3 =	simm.s32 $0x108;
	s8 =	sld [smem:$0x3FB5]  }
0x2e: {  	s3 =	simm.s32 @!p0 $0x1082;
	s9 =	sld [smem:$0x3FB6]  }
0x2f: {  	lr =	sadd.s32 s0, s3;
	s0 =	sld [smem:$0x3FAD]  }
0x30: {  	s3 =	sld [smem:$0x3FB0]  }
0x31: {  	[smem:$0x3FB9] =	sst s10  }
0x32: {  	s10 =	sld [smem:$0x3FB7];
	_ =	sdelay $0x3  }
0x33: {  	p0 =	seq.s32 s10, $0x1;
	s10 =	sld [smem:$0x3FB9];
	_ =	sdelay $0x3  }
0x34: {  	[smem:$0x3FB9] =	sst s10  }
0x35: {  	s10 =	sld [smem:$0x3FB8];
	_ =	sdelay $0x3  }
0x36: {  	p1 =	seq.s32 s10, $0x1;
	s10 =	sld [smem:$0x3FB9];
	_ =	sdelay $0x3  }
0x37: {  	[smem:$0x3FB9] =	sst s10  }
0x38: {  	s10 =	sld [smem:$0x3FBA]  }
0x39: {  	_ = 	snop;
	(pc) =	sbr.ind lr, $3  }
0x3a: {  	_ = 	snop  }
0x3b: {  	_ = 	snop  }
0x3c: {  	p2 =	seq.s32 s10, $0x1;
	s10 =	sld [smem:$0x3FB9]  }
0x3d: {  	_ =	shalt  }
0x3e: {  	_ =	shalt  }
0x3f: {  	_ =	shalt  }
0x40: {  	_ =	shalt  }
0x41: {  	_ =	shalt  }
0x42: {  	_ =	shalt  }
0x43: {  	_ =	shalt  }
0x44: {  	_ =	shalt  }
0x45: {  	_ =	shalt  }
0x46: {  	_ =	shalt  }
0x47: {  	_ =	shalt  }
0x48: {  	_ =	shalt  }
0x49: {  	_ =	shalt  }
0x4a: {  	_ =	shalt  }
0x4b: {  	_ =	shalt  }
0x4c: {  	_ =	shalt  }
0x4d: {  	_ =	shalt  }
0x4e: {  	_ =	shalt  }
0x4f: {  	_ =	shalt  }
0x50: {  	_ =	shalt  }
0x51: {  	_ =	shalt  }
0x52: {  	_ =	shalt  }
0x53: {  	_ =	shalt  }
0x54: {  	_ =	shalt  }
0x55: {  	_ =	shalt  }
0x56: {  	_ =	shalt  }
0x57: {  	_ =	shalt  }
0x58: {  	_ =	shalt  }
0x59: {  	_ =	shalt  }
0x5a: {  	_ =	shalt  }
0x5b: {  	_ =	shalt  }
0x5c: {  	_ =	shalt  }
0x5d: {  	_ =	shalt  }
0x5e: {  	_ =	shalt  }
0x5f: {  	_ =	shalt  }
0x60: {  	_ =	shalt  }
0x61: {  	_ =	shalt  }
0x62: {  	_ =	shalt  }
0x63: {  	_ =	shalt  }
0x64: {  	_ =	shalt  }
0x65: {  	_ =	shalt  }
0x66: {  	_ =	shalt  }
0x67: {  	_ =	shalt  }
0x68: {  	_ =	shalt  }
0x69: {  	_ =	shalt  }
0x6a: {  	_ =	shalt  }
0x6b: {  	_ =	shalt  }
0x6c: {  	_ =	shalt  }
0x6d: {  	_ =	shalt  }
0x6e: {  	_ =	shalt  }
0x6f: {  	_ =	shalt  }
0x70: {  	_ =	shalt  }
0x71: {  	_ =	shalt  }
0x72: {  	_ =	shalt  }
0x73: {  	_ =	shalt  }
0x74: {  	_ =	shalt  }
0x75: {  	_ =	shalt  }
0x76: {  	_ =	shalt  }
0x77: {  	_ =	shalt  }
0x78: {  	_ =	shalt  }
0x79: {  	_ =	shalt  }
0x7a: {  	_ =	shalt  }
0x7b: {  	_ =	shalt  }
0x7c: {  	_ =	shalt  }
0x7d: {  	_ =	shalt  }
0x7e: {  	_ =	shalt  }
0x7f: {  	_ =	shalt  }
0x80: {  	_ =	shalt  }
0x81: {  	_ =	shalt  }
0x82: {  	_ =	shalt  }
0x83: {  	_ =	shalt  }
0x84: {  	_ =	shalt  }
0x85: {  	_ =	shalt  }
0x86: {  	_ =	shalt  }
0x87: {  	_ =	shalt  }
.Lfunc_end0:
.L_simem_size_0:
called_computation_lowered:
.L_overlay_start_0:
0x88: {  	s2 =	sld [smem:$0x3FD9]  }
0x89: {  	s3 =	sld [smem:$0x3FFE];
	_ =	sdelay $0x1  }
0x8a: {  	s1 =	srdreg.scid  }
0x8b: {  	s0 =	sand.u32 $0x1, s1  }
0x8c: {  	s16 =	sshll.u32 s0, $0xA;
	s2 =	sadd.s32 s3, s2  }
0x8d: {  	s2 =	sadd.s32 s2, s16  }
0x8e: {  	[smem:$0x3FC5] =	sst s2  }
0x8f: {  	_ = 	snop  }
0x90: {  	(tm) =	ssettm $0x1  }
0x91: {  	s17 =	sld [smem:$0x3FFB];
	_ =	sdelay $0x3  }
0x92: {  	_ =	strace s17  }
0x93: {  	s2 =	sld [smem:$0x3FFC];
	_ =	sdelay $0x3  }
0x94: {  	_ =	strace s2  }
0x95: {  	s2 =	sld [smem:$0x3FFD];
	_ =	sdelay $0x3  }
0x96: {  	_ =	strace s2  }
0x97: {  	_ =	strace $0x8FFFFFFF  }
0x98: {  	s18 =	sld [smem:$0x3FDB];
	_ =	sdelay $0x1  }
0x99: {  	s19 =	simm.s32 $_scs_section_size  }
0x9a: {  	s4 =	simm.s32 $_size__tile_overlayer_lowered;
	s5 =	simm.s32 $_tile_overlayer_lowered  }
0x9b: {  	s22 =	simm.s32 $0x1BFF;
	s21 =	sshll.u32 s5, $0x1;
	s2 =	sadd.s32 s19, s18  }
0x9c: {  	s6 =	simm.s32 $0x0;
	s20 =	sshll.u32 s4, $0x1;
	s4 =	sadd.s32 s21, s2  }
0x9d: {  	[timem:s6], [sflag:s22] =	dma.local [hbm:s4], s20  }
0x9e: {  	_ =	swait.ge [sflag:s22], s20  }
0x9f: {  	s3 =	ssub.s32 $0x0, s20;
	[sflag:s22] =	ssyncset.done $0x0  }
0xa0: {  	[sflag:s22] =	ssyncadd.s32 s3;
	_ =	sdelay $0x1  }
0xa1: {  	s23 =	simm.s32 $0x1B8B  }
0xa2: {  	_ =	swait.ge [sflag:s23], $0x1  }
0xa3: {  	[sflag:s23] =	ssyncset.done $0x0  }
0xa4: {  	s25 =	simm.s32 $0x1B8E;
	s24 =	sld [smem:$0x3FFE];
	[sflag:s23] =	ssyncadd.s32 $0xFFFFFFFF  }
0xa5: {  	s26 =	simm.s32 $execute0_lowered;
	[smem:$0x3FD2] =	sst s25  }
0xa6: {  	s4 =	sshll.u32 s26, $0x1;
	_ =	strace $0x80000046;
	[dreg:$0x1] =	wrdreg $0xFFFFFFFF  }
0xa7: {  	s28 =	simm.s32 $_size_execute0_lowered;
	s2 =	sadd.s32 s2, s4;
	[dreg:$0x0] =	wrdreg $0x0  }
0xa8: {  	s4 =	sshll.u32 s28, $0x1;
	[dreg:$0x2] =	wrdreg s2  }
0xa9: {  	[dreg:$0x3] =	wrdreg s4  }
0xaa: {  	[dreg:$0x4] =	wrdreg $0xC0  }
0xab: {  	_ =	task [dreg:s6], $0x5FFFF  }
0xac: {  	[dreg:$0x1] =	wrdreg $0xFFFFFFFF  }
0xad: {  	[dreg:$0x0] =	wrdreg $0x60  }
0xae: {  	[dreg:$0x2] =	wrdreg s24  }
0xaf: {  	[dreg:$0x3] =	wrdreg $0x9  }
0xb0: {  	_ =	task.clear_ibuf [dreg:s6], $0x4FFFF;
	_ =	strace $0x90000046  }
0xb1: {  	s29 =	simm.s32 $0x9;
	_ =	strace $0x80000048  }
0xb2: {  	_ =	swait.ge [sflag:s29], $0x1  }
0xb3: {  	[sflag:s29] =	ssyncadd.s32 $0xFFFFFFFF  }
0xb4: {  	_ =	strace $0x90000048  }
0xb5: {  	_ =	sfence  }
0xb6: {  	s30 =	sld [smem:$0x0];
	_ =	sdelay $0x2  }
0xb7: {  	s31 =	sshll.u32 s1, $0xD;
	s1 =	sshrl.u32 s1, $0x2  }
0xb8: {  	s3 =	sand.u32 $0x4000, s31;
	s1 =	sadd.s32 s1, s30  }
0xb9: {  	s0 =	sor.u32 s3, s0;
	s1 =	sshll.u32 s1, $0x11  }
0xba: {  	s0 =	sor.u32 s1, s0  }
0xbb: {  	s0 =	sadd.s32 $0x8F2B, s0  }
0xbc: {  	[sflag:s0] =	ssyncadd.remote.s32 $0x1  }
0xbd: {  	_ =	sfence.sel $0xFFFF  }
0xbe: {  	[dreg:$0x0] =	wrdreg $0xFFFFFFFF;
	(pc) =	sbr.abs _section_cstart, $3  }
0xbf: {  	[dreg:$0x1] =	wrdreg $0xFFFFFFFF  }
0xc0: {  	_ =	task.clear_ibuf [dreg:s6], $0x2FFFF;
	_ =	strace $0x9FFFFFFF  }
0xc1: {  	(tm) =	ssettm $0x7FFFFFFF  }
tec
execute0_lowered:
.L_overlay_start_1:
0x0: {  	(tag) =	ssettag $0x1  }
0x1: {  	s1 =	srdreg.scid;
	s0 =	stileid.u32  }
0x2: {  	s4 =	rddreg [dreg:$0x0];
	s2 =	simm.s32 $0x0;
	s8 =	simm.s32 $0x280  }
0x3: {  	s9 =	simm.s32 $0x1;
	s10 =	simm.s32 $0x2A80;
	s11 =	simm.s32 $0x0  }
0x4: {  	s3 =	sand.u32 $0x1, s1;
	s5 =	sshll.u32 s0, $0x1;
	[smem:$0x7FF] =	sst s2  }
0x5: {  	s1 =	rddreg [dreg:$0x1];
	s5 =	sor.u32 s3, s5;
	_ =	strace $0x80000047  }
0x6: {  	s7 =	ssub.s32 $0x2, s3;
	s6 =	smul.u32 $0x50, s5;
	s5 =	sshll.u32 s5, $0x6  }
0x7: {  	s3 =	sadd.s32 $0xE00, s4;
	s31 =	sshrl.u32 s7, $0x1;
	s5 =	sadd.s32 s5, s4  }
0x8: {  	s7 =	ssub.s32 s7, s31;
	s6 =	sadd.s32 s6, s4;
	s5 =	sadd.s32 $0x31C00, s5  }
0x9: {  	s4 =	sadd.s32 $0x400, s6;
	s6 =	smax.u32 s7, $0x1;
	s7 =	simm.s32 $0x2  }
.LBB2_1:
0xa: {  	[tilespmem:s2], [sflag:$0x2] =	stream.linear.gather [hbm4b:s4+s2], $0x280, $0x38;
	[tilespmem:$0x2C80] =	vst v63  }
0xb: {  	_ =	swait.ge [sflag:s7], $0x280  }
0xc: {  	[sflag:s7] =	ssyncset.done $0x0  }
0xd: {  	[sflag:s7] =	ssyncadd.s32 $0xFFFFFD80  }
0xe: {  	[tilespmem:s8], [sflag:$0x1] =	stream.indirect.gather [hbm4b:s3+s8], $0x10, s2, s8, $0xb8;
	[tilespmem:$0x2C80] =	vst v63  }
0xf: {  	_ =	swait.ge [sflag:s9], $0x2800  }
0x10: {  	[sflag:s9] =	ssyncset.done $0x0  }
0x11: {  	s13 =	simm.s32 $0x320;
	[sflag:s9] =	ssyncadd.s32 $0xFFFFD800  }
0x12: {  	v0 =	vld [tilespmem:s13+$0xFFFFFF70]  }
0x13: {  	s14 =	simm.s32 $0x40;
	s12 =	simm.s32 $0x0;
	v1 =	vld [tilespmem:s13+$0xFFFFFF60]  }
.LBB2_2:
0x14: {  	p0 =	sne.s32 s14, $0x7C0  }
0x15: {  	v2 =	vld [tilespmem:s13+$0xFFFFFF80];
	_ =	sdelay $0x1  }
0x16: {  	v3 =	vld [tilespmem:s13+$0xFFFFFF90]  }
0x17: {  	v0 =	vadd.f32 v0, v1  }
0x18: {  	v1 =	vld [tilespmem:s13+$0xFFFFFFA0]  }
0x19: {  	v0 =	vadd.f32 v2, v0  }
0x1a: {  	v2 =	vld [tilespmem:s13+$0xFFFFFFB0]  }
0x1b: {  	v0 =	vadd.f32 v3, v0  }
0x1c: {  	v3 =	vld [tilespmem:s13+$0xFFFFFFC0]  }
0x1d: {  	v0 =	vadd.f32 v1, v0  }
0x1e: {  	v1 =	vld [tilespmem:s13+$0xFFFFFFD0]  }
0x1f: {  	v0 =	vadd.f32 v2, v0  }
0x20: {  	v2 =	vld [tilespmem:s13+$0xFFFFFFE0]  }
0x21: {  	v0 =	vadd.f32 v3, v0  }
0x22: {  	v3 =	vld [tilespmem:s13+$0xFFFFFFF0]  }
0x23: {  	v0 =	vadd.f32 v1, v0  }
0x24: {  	v1 =	vld [tilespmem:s13+$0x0]  }
0x25: {  	v0 =	vadd.f32 v2, v0  }
0x26: {  	v2 =	vld [tilespmem:s13+$0x10]  }
0x27: {  	v0 =	vadd.f32 v3, v0  }
0x28: {  	v3 =	vld [tilespmem:s13+$0x20]  }
0x29: {  	v0 =	vadd.f32 v1, v0  }
0x2a: {  	v1 =	vld [tilespmem:s13+$0x30]  }
0x2b: {  	v0 =	vadd.f32 v2, v0  }
0x2c: {  	v2 =	vld [tilespmem:s13+$0x40]  }
0x2d: {  	v0 =	vadd.f32 v3, v0  }
0x2e: {  	v3 =	vld [tilespmem:s13+$0x50]  }
0x2f: {  	v0 =	vadd.f32 v1, v0  }
0x30: {  	v1 =	vld [tilespmem:s13+$0x60]  }
0x31: {  	v0 =	vadd.f32 v2, v0  }
0x32: {  	v2 =	vld [tilespmem:s13+$0x70]  }
0x33: {  	v0 =	vadd.f32 v3, v0  }
0x34: {  	v3 =	vld [tilespmem:s13+$0x80]  }
0x35: {  	v0 =	vadd.f32 v1, v0  }
0x36: {  	v1 =	vld [tilespmem:s13+$0x90]  }
0x37: {  	v0 =	vadd.f32 v2, v0;
	_ =	sdelay $0x1  }
0x38: {  	v0 =	vadd.f32 v3, v0;
	_ =	sdelay $0x1  }
0x39: {  	v0 =	vadd.f32 v1, v0;
	_ =	sdelay $0x1  }
.Ltmp0:
0x3a: {  	v0 =	vmul.f32 $5.000000070e-02, v0;
	(pc) =	sbr.rel @p0 .LBB2_2-.Ltmp0, $4  }
0x3b: {  	s15 =	sshra.s32 s12, $0x2;
	s12 =	smov.u32 s14  }
0x3c: {  	s13 =	sadd.s32 $0x140, s13;
	[tilespmem:s15+$0x2A80] =	vst v0  }
0x3d: {  	v0 =	vld [tilespmem:s13+$0xFFFFFF70]  }
0x3e: {  	s14 =	sadd.s32 $0x40, s14;
	v1 =	vld [tilespmem:s13+$0xFFFFFF60]  }
0x3f: {  	_ = 	snop  }
0x40: {  	v2 =	vld [tilespmem:s13+$0xFFFFFF80];
	_ =	sdelay $0x1  }
0x41: {  	v3 =	vld [tilespmem:s13+$0xFFFFFF90]  }
0x42: {  	v0 =	vadd.f32 v0, v1  }
0x43: {  	v48 =	vld [tilespmem:s13+$0xFFFFFFA0]  }
0x44: {  	v0 =	vadd.f32 v2, v0  }
0x45: {  	v49 =	vld [tilespmem:s13+$0xFFFFFFB0]  }
0x46: {  	v0 =	vadd.f32 v3, v0  }
0x47: {  	v50 =	vld [tilespmem:s13+$0xFFFFFFC0]  }
0x48: {  	v0 =	vadd.f32 v48, v0  }
0x49: {  	v51 =	vld [tilespmem:s13+$0xFFFFFFD0]  }
0x4a: {  	v0 =	vadd.f32 v49, v0  }
0x4b: {  	v52 =	vld [tilespmem:s13+$0xFFFFFFE0]  }
0x4c: {  	v0 =	vadd.f32 v50, v0  }
0x4d: {  	v53 =	vld [tilespmem:s13+$0xFFFFFFF0]  }
0x4e: {  	v0 =	vadd.f32 v51, v0  }
0x4f: {  	v54 =	vld [tilespmem:s13+$0x0]  }
0x50: {  	v0 =	vadd.f32 v52, v0  }
0x51: {  	v55 =	vld [tilespmem:s13+$0x10]  }
0x52: {  	v0 =	vadd.f32 v53, v0  }
0x53: {  	v56 =	vld [tilespmem:s13+$0x20]  }
0x54: {  	v0 =	vadd.f32 v54, v0  }
0x55: {  	v57 =	vld [tilespmem:s13+$0x30]  }
0x56: {  	v0 =	vadd.f32 v55, v0  }
0x57: {  	v58 =	vld [tilespmem:s13+$0x40]  }
0x58: {  	v0 =	vadd.f32 v56, v0  }
0x59: {  	v59 =	vld [tilespmem:s13+$0x50]  }
0x5a: {  	v0 =	vadd.f32 v57, v0  }
0x5b: {  	v60 =	vld [tilespmem:s13+$0x60]  }
0x5c: {  	v0 =	vadd.f32 v58, v0  }
0x5d: {  	v61 =	vld [tilespmem:s13+$0x70]  }
0x5e: {  	v0 =	vadd.f32 v59, v0  }
0x5f: {  	v62 =	vld [tilespmem:s13+$0x80]  }
0x60: {  	v0 =	vadd.f32 v60, v0  }
0x61: {  	v63 =	vld [tilespmem:s13+$0x90]  }
0x62: {  	v0 =	vadd.f32 v61, v0;
	_ =	sdelay $0x1  }
0x63: {  	v0 =	vadd.f32 v62, v0;
	_ =	sdelay $0x1  }
0x64: {  	v0 =	vadd.f32 v63, v0;
	_ =	sdelay $0x1  }
0x65: {  	s11 =	sadd.s32 $0x1, s11;
	v0 =	vmul.f32 $5.000000070e-02, v0  }
0x66: {  	s12 =	sshra.s32 s12, $0x2;
	p0 =	sne.s32 s11, s6  }
.Ltmp1:
0x67: {  	[tilespmem:s12+$0x2A80] =	vst v0;
	(pc) =	sbr.rel @p0 .LBB2_1-.Ltmp1, $4  }
0x68: {  	[hbm4b:s5+s2] =	stream.linear.scatter [tilespmem:s10], [sflag:$0x2], $0x200, $0x38;
	[tilespmem:$0x2C80] =	vst v63  }
0x69: {  	_ =	swait.ge [sflag:s7], $0x200  }
0x6a: {  	[sflag:s7] =	ssyncset.done $0x0  }
0x6b: {  	[sflag:s7] =	ssyncadd.s32 $0xFFFFFE00  }
0x6c: {  	_ =	sfence.sel $0x180000  }
0x6d: {  	[bflag:$0x0] =	sbarrier.arrive $0xFFFF  }
0x6e: {  	p0 =	sne.s32 s0, $0x0;
	_ =	strace $0x90000047  }
0x6f: {  	s0 =	sadd.s32 @!p0 $0x100000, s1;
	[bflag:$0x2] =	sbarrier.arrive $0xFFFF  }
0x70: {  	[sflag:s0] =	ssyncadd.tile.s32 @!p0 $0x1;
	_ =	shalt  }
.Lfunc_end2:
_tile_overlayer_lowered:
.L_overlay_start_2:
0x71: {  	(tag) =	ssettag $0x2  }
0x72: {  	s0 =	rddreg [dreg:$0x0];
	s2 =	stileid.u32  }
0x73: {  	s1 =	rddreg [dreg:$0x1];
	p0 =	sne.s32 s2, $0x0  }
0x74: {  	s3 =	rddreg [dreg:$0x2];
	[bflag:$0x3] =	sbarrier.arrive $0xFFFF;
	s2 =	simm.s32 @!p0 $0x1C02  }
0x75: {  	[timem:s3], [sflag:s2] =	dma.local @!p0 [hbm:s0], s1  }
0x76: {  	s0 =	simm.s32 @!p0 $0x2  }
0x77: {  	_ =	swait.ge @!p0 [sflag:s0], s1  }
0x78: {  	s1 =	ssub.s32 @!p0 $0x0, s1;
	[sflag:s0] =	ssyncset.done @!p0 $0x0  }
0x79: {  	[sflag:s0] =	ssyncadd.s32 @!p0 s1  }
0x7a: {  	[bflag:$0x3] =	sbarrier.arrive $0xFFFF  }
0x7b: {  	_ =	shalt  }

</sc_bundles>
